<compile_context>
chip_gen: v7x
topology: tpu7x:2x2x1
jax: 0.10.2.dev20260603
libtpu: 0.0.44.dev20260713+nightly
codegen_flags: <defaults>
</compile_context>

<pallas_src>
import functools

import numpy as np
import jax
import jax.numpy as jnp
from jax import lax
from jax.experimental import pallas as pl
from jax.experimental.pallas import tpu as pltpu
from jax.experimental.pallas import tpu_sc as plsc

N = 10000
K = 32
D = 128

NC = 2
NS = 16
NW = NC * NS

S_SC = 800
CH = 40
NCH = S_SC // CH
CHMAX = (NCH + NW - 1) // NW

BLOCK = 400
N_TC = N - S_SC

_IDX_TABLE = (
    (np.arange(NCH, dtype=np.int32)[:, None, None] * CH
     + np.arange(CH, dtype=np.int32)[None, None, :]) * K
    + np.arange(K, dtype=np.int32)[None, :, None]
)


def _sc_body(src_hbm, idxt_hbm, out_hbm, idx_v, acc_v, sem_idx, sem_g):
    c_id = lax.axis_index("c")
    s_id = lax.axis_index("s")
    wid = s_id * NC + c_id
    nch_w = (NCH - wid + NW - 1) // NW

    def ld_idx(i, _):
        pltpu.async_copy(idxt_hbm.at[wid + i * NW], idx_v.at[i], sem_idx)
        return ()

    lax.fori_loop(0, nch_w, ld_idx, ())

    def ld_idx_wait(i, _):
        pltpu.make_async_copy(idxt_hbm.at[0], idx_v.at[0], sem_idx).wait()
        return ()

    lax.fori_loop(0, nch_w, ld_idx_wait, ())

    def chunk(i, _):
        pltpu.async_copy(src_hbm.at[idx_v.at[i, 0]], acc_v, sem_g).wait()

        def fire(k, _):
            pltpu.async_copy(src_hbm.at[idx_v.at[i, k]], acc_v, sem_g, add=True)
            return ()

        lax.fori_loop(1, K, fire, ())

        def drain(k, _):
            pltpu.make_async_copy(src_hbm.at[idx_v.at[0, 0]], acc_v, sem_g).wait()
            return ()

        lax.fori_loop(1, K, drain, ())

        c = wid + i * NW
        pltpu.sync_copy(acc_v, out_hbm.at[pl.ds(c * CH, CH)])
        return ()

    lax.fori_loop(0, nch_w, chunk, ())


_sc_segment_sum = pl.kernel(
    _sc_body,
    out_type=jax.ShapeDtypeStruct((S_SC, D), jnp.float32),
    mesh=plsc.VectorSubcoreMesh(
        core_axis_name="c", subcore_axis_name="s", num_cores=NC, num_subcores=NS
    ),
    scratch_types=[
        pltpu.VMEM((CHMAX, K, CH), jnp.int32),
        pltpu.VMEM((CH, D), jnp.float32),
        pltpu.SemaphoreType.DMA,
        pltpu.SemaphoreType.DMA,
    ],
)


def _tc_body(x_ref, w_ref, o_ref):
    x = x_ref[...]
    s = jnp.sum(x, axis=1) * (1.0 / K)
    o_ref[...] = jnp.dot(s, w_ref[...], preferred_element_type=jnp.float32)


def _tc_reduce_project(neighbor_feature, weight):
    return pl.pallas_call(
        _tc_body,
        grid=(N_TC // BLOCK,),
        in_specs=[
            pl.BlockSpec((BLOCK, K, D), lambda i: (i + S_SC // BLOCK, 0, 0)),
            pl.BlockSpec((D, D), lambda i: (0, 0)),
        ],
        out_specs=pl.BlockSpec((BLOCK, D), lambda i: (i, 0)),
        out_shape=jax.ShapeDtypeStruct((N_TC, D), jnp.float32),
        compiler_params=pltpu.CompilerParams(
            dimension_semantics=("arbitrary",),
        ),
    )(neighbor_feature, weight)


def _mm_body(x_ref, w_ref, o_ref):
    o_ref[...] = jnp.dot(x_ref[...], w_ref[...], preferred_element_type=jnp.float32)


def _tc_matmul(x, w):
    return pl.pallas_call(
        _mm_body,
        in_specs=[
            pl.BlockSpec((S_SC, D), lambda: (0, 0)),
            pl.BlockSpec((D, D), lambda: (0, 0)),
        ],
        out_specs=pl.BlockSpec((S_SC, D), lambda: (0, 0)),
        out_shape=jax.ShapeDtypeStruct((S_SC, D), jnp.float32),
    )(x, w)


@jax.jit
def kernel(neighbor_feature, weight):
    src = neighbor_feature.reshape(N * K, D)
    sc_sums = _sc_segment_sum(src, jnp.asarray(_IDX_TABLE))
    tc_out = _tc_reduce_project(neighbor_feature, weight)
    sc_out = _tc_matmul(sc_sums, weight * (1.0 / K))
    return jnp.concatenate([sc_out, tc_out], axis=0)

# --- scband reference (transcript-rebuilt; emitter-appended) ---
"""Pipeline reference for scband-neighbor-agg-13297218748800 (READ-ONLY COPY).

The authoritative reference and input builder live on the scoring server;
editing this copy changes nothing except your own understanding.
"""

import jax, jax.numpy as jnp
import numpy as np


def setup_inputs(seed: int = 0) -> dict:
    key = jax.random.key(seed)
    k1, k2 = jax.random.split(key)
    neighbor_feature = jax.random.normal(k1, (10000, 32, 128), dtype=jnp.float32)
    # glorot_uniform init for kernel of shape (input_dim, output_dim) = (128, 128)
    fan_in, fan_out = 128, 128
    limit = float(np.sqrt(6.0 / (fan_in + fan_out)))
    weight = jax.random.uniform(k2, (128, 128), dtype=jnp.float32, minval=-limit, maxval=limit)
    return {"neighbor_feature": neighbor_feature, "weight": weight}


def reference(neighbor_feature, weight):
    # agg_method == 'mean': reduce over neighbor axis (axis=1)
    agg = jnp.mean(neighbor_feature, axis=1)
    # linear projection; use_bias=False
    hidden = jnp.matmul(agg, weight)
    return hidden

if __name__ == "__main__":
    import jax
    _d = setup_inputs()
    print(jax.jit(kernel)(*tuple(_d.values())))

</pallas_src>

<mosaic_0001>
#map = affine_map<(d0, d1) -> (0, 0)>
#map1 = affine_map<(d0, d1) -> (0, 0, 0)>
module attributes {stable_mosaic.version = 14 : i64} {
  func.func @_sc_body(%arg0: i32, %arg1: i32, %arg2: memref<320000x128xf32, #tpu.memory_space<hbm>>, %arg3: memref<20x32x40xi32, #tpu.memory_space<hbm>>, %arg4: memref<800x128xf32, #tpu.memory_space<hbm>>, %arg5: memref<1x32x40xi32, #tpu.memory_space<vmem>>, %arg6: memref<40x128xf32, #tpu.memory_space<vmem>>, %arg7: memref<!tpu.dma_semaphore, #tpu.memory_space<semaphore_mem>>, %arg8: memref<!tpu.dma_semaphore, #tpu.memory_space<semaphore_mem>>) attributes {dimension_semantics = [#tpu.dimension_semantics<core_parallel>, #tpu.dimension_semantics<subcore_parallel>], iteration_bounds = array<i64: 2, 16>, scalar_prefetch = 0 : i64, scratch_operands = 4 : i64, tpu.core_type = #tpu.core_type<sc_vector_subcore>, window_params = [{transform_indices = #map}, {transform_indices = #map1}, {transform_indices = #map}]} {
    %mul3A = arith.constant 2 : i32
    %mul3A_0 = arith.muli %arg1, %mul3A : i32
    %add3A = arith.addi %mul3A_0, %arg0 : i32
    %sub3A = arith.constant 20 : i32
    %sub3A_1 = arith.subi %sub3A, %add3A : i32
    %add3A_2 = arith.constant 32 : i32
    %add3A_3 = arith.addi %sub3A_1, %add3A_2 : i32
    %sub3A_4 = arith.constant 1 : i32
    %sub3A_5 = arith.subi %add3A_3, %sub3A_4 : i32
    %jit3A = arith.constant 32 : i32
    %div3A = arith.divsi %sub3A_5, %jit3A : i32
    %sign3A = arith.constant 0 : i32
    %sign3A_6 = arith.cmpi sgt, %sub3A_5, %sign3A : i32
    %sign3A_7 = arith.extui %sign3A_6 : i1 to i32
    %sign3A_8 = arith.constant 0 : i32
    %sign3A_9 = arith.cmpi slt, %sub3A_5, %sign3A_8 : i32
    %sign3A_10 = arith.extui %sign3A_9 : i1 to i32
    %sign3A_11 = arith.subi %sign3A_7, %sign3A_10 : i32
    %sign3A_12 = arith.constant 0 : i32
    %sign3A_13 = arith.cmpi sgt, %jit3A, %sign3A_12 : i32
    %sign3A_14 = arith.extui %sign3A_13 : i1 to i32
    %sign3A_15 = arith.constant 0 : i32
    %sign3A_16 = arith.cmpi slt, %jit3A, %sign3A_15 : i32
    %sign3A_17 = arith.extui %sign3A_16 : i1 to i32
    %sign3A_18 = arith.subi %sign3A_14, %sign3A_17 : i32
    %ne3A = arith.cmpi ne, %sign3A_11, %sign3A_18 : i32
    %rem3A = arith.remsi %sub3A_5, %jit3A : i32
    %ne3A_19 = arith.constant 0 : i32
    %ne3A_20 = arith.cmpi ne, %rem3A, %ne3A_19 : i32
    %and3A = arith.andi %ne3A, %ne3A_20 : i1
    %sub3A_21 = arith.constant 1 : i32
    %sub3A_22 = arith.subi %div3A, %sub3A_21 : i32
    %select_n3A = arith.select %and3A, %sub3A_22, %div3A : i32
    %while3A = arith.constant 0 : i32
    %while3A_23 = arith.subi %select_n3A, %while3A : i32
    %while3A_24 = arith.addi %while3A, %while3A_23 : i32
    %while3A_25 = arith.constant 1 : i32
    %while3A_26 = arith.divsi %while3A_23, %while3A_25 : i32
    %while3A_27 = arith.muli %while3A_26, %while3A_25 : i32
    %while3A_28 = arith.addi %while3A, %while3A_27 : i32
    %while3A_29 = arith.constant 1 : i32
    scf.for %while3A_49 = %while3A to %while3A_28 step %while3A_29  : i32 {
      %mul3A_50 = arith.constant 32 : i32
      %mul3A_51 = arith.muli %while3A_49, %mul3A_50 : i32
      %add3A_52 = arith.addi %add3A, %mul3A_51 : i32
      %dma_start3A = arith.constant 0 : i32
      %dma_start3A_53 = arith.constant 0 : i32
      %dma_start3A_54 = tpu.memref_slice %arg5[%while3A_49, %dma_start3A, %dma_start3A_53] : memref<1x32x40xi32, #tpu.memory_space<vmem>> -> memref<1x32x40xi32, #tpu.memory_space<vmem>>
      %dma_start3A_55 = tpu.memref_squeeze %dma_start3A_54 : memref<1x32x40xi32, #tpu.memory_space<vmem>> -> memref<32x40xi32, #tpu.memory_space<vmem>>
      %dma_start3A_56 = arith.constant 0 : i32
      %dma_start3A_57 = arith.constant 0 : i32
      %dma_start3A_58 = tpu.memref_slice %arg3[%add3A_52, %dma_start3A_56, %dma_start3A_57] : memref<20x32x40xi32, #tpu.memory_space<hbm>> -> memref<1x32x40xi32, #tpu.memory_space<hbm>>
      %dma_start3A_59 = tpu.memref_squeeze %dma_start3A_58 : memref<1x32x40xi32, #tpu.memory_space<hbm>> -> memref<32x40xi32, #tpu.memory_space<hbm>>
      %dma_start3A_60 = arith.constant 0 : i32
      %dma_start3A_61 = arith.constant 0 : i32
      %dma_start3A_62 = tpu.memref_slice %arg5[%while3A_49, %dma_start3A_60, %dma_start3A_61] : memref<1x32x40xi32, #tpu.memory_space<vmem>> -> memref<1x32x40xi32, #tpu.memory_space<vmem>>
      %dma_start3A_63 = tpu.memref_squeeze %dma_start3A_62 : memref<1x32x40xi32, #tpu.memory_space<vmem>> -> memref<32x40xi32, #tpu.memory_space<vmem>>
      %dma_start3A_64 = arith.constant 0 : i32
      %dma_start3A_65 = arith.constant 0 : i32
      %dma_start3A_66 = tpu.memref_slice %arg3[%add3A_52, %dma_start3A_64, %dma_start3A_65] : memref<20x32x40xi32, #tpu.memory_space<hbm>> -> memref<1x32x40xi32, #tpu.memory_space<hbm>>
      %dma_start3A_67 = tpu.memref_squeeze %dma_start3A_66 : memref<1x32x40xi32, #tpu.memory_space<hbm>> -> memref<32x40xi32, #tpu.memory_space<hbm>>
      tpu.enqueue_dma source(%dma_start3A_67 : memref<32x40xi32, #tpu.memory_space<hbm>>) target(%dma_start3A_63 : memref<32x40xi32, #tpu.memory_space<vmem>>) target_semaphore(%arg7 : memref<!tpu.dma_semaphore, #tpu.memory_space<semaphore_mem>>)
    }
    %while3A_30 = arith.constant 1 : i32
    scf.for %while3A_49 = %while3A_28 to %while3A_24 step %while3A_30  : i32 {
      %mul3A_50 = arith.constant 32 : i32
      %mul3A_51 = arith.muli %while3A_49, %mul3A_50 : i32
      %add3A_52 = arith.addi %add3A, %mul3A_51 : i32
      %dma_start3A = arith.constant 0 : i32
      %dma_start3A_53 = arith.constant 0 : i32
      %dma_start3A_54 = tpu.memref_slice %arg5[%while3A_49, %dma_start3A, %dma_start3A_53] : memref<1x32x40xi32, #tpu.memory_space<vmem>> -> memref<1x32x40xi32, #tpu.memory_space<vmem>>
      %dma_start3A_55 = tpu.memref_squeeze %dma_start3A_54 : memref<1x32x40xi32, #tpu.memory_space<vmem>> -> memref<32x40xi32, #tpu.memory_space<vmem>>
      %dma_start3A_56 = arith.constant 0 : i32
      %dma_start3A_57 = arith.constant 0 : i32
      %dma_start3A_58 = tpu.memref_slice %arg3[%add3A_52, %dma_start3A_56, %dma_start3A_57] : memref<20x32x40xi32, #tpu.memory_space<hbm>> -> memref<1x32x40xi32, #tpu.memory_space<hbm>>
      %dma_start3A_59 = tpu.memref_squeeze %dma_start3A_58 : memref<1x32x40xi32, #tpu.memory_space<hbm>> -> memref<32x40xi32, #tpu.memory_space<hbm>>
      %dma_start3A_60 = arith.constant 0 : i32
      %dma_start3A_61 = arith.constant 0 : i32
      %dma_start3A_62 = tpu.memref_slice %arg5[%while3A_49, %dma_start3A_60, %dma_start3A_61] : memref<1x32x40xi32, #tpu.memory_space<vmem>> -> memref<1x32x40xi32, #tpu.memory_space<vmem>>
      %dma_start3A_63 = tpu.memref_squeeze %dma_start3A_62 : memref<1x32x40xi32, #tpu.memory_space<vmem>> -> memref<32x40xi32, #tpu.memory_space<vmem>>
      %dma_start3A_64 = arith.constant 0 : i32
      %dma_start3A_65 = arith.constant 0 : i32
      %dma_start3A_66 = tpu.memref_slice %arg3[%add3A_52, %dma_start3A_64, %dma_start3A_65] : memref<20x32x40xi32, #tpu.memory_space<hbm>> -> memref<1x32x40xi32, #tpu.memory_space<hbm>>
      %dma_start3A_67 = tpu.memref_squeeze %dma_start3A_66 : memref<1x32x40xi32, #tpu.memory_space<hbm>> -> memref<32x40xi32, #tpu.memory_space<hbm>>
      tpu.enqueue_dma source(%dma_start3A_67 : memref<32x40xi32, #tpu.memory_space<hbm>>) target(%dma_start3A_63 : memref<32x40xi32, #tpu.memory_space<vmem>>) target_semaphore(%arg7 : memref<!tpu.dma_semaphore, #tpu.memory_space<semaphore_mem>>)
    }
    %while3A_31 = arith.constant 0 : i32
    %while3A_32 = arith.subi %select_n3A, %while3A_31 : i32
    %while3A_33 = arith.addi %while3A_31, %while3A_32 : i32
    %while3A_34 = arith.constant 1 : i32
    %while3A_35 = arith.divsi %while3A_32, %while3A_34 : i32
    %while3A_36 = arith.muli %while3A_35, %while3A_34 : i32
    %while3A_37 = arith.addi %while3A_31, %while3A_36 : i32
    %while3A_38 = arith.constant 1 : i32
    scf.for %while3A_49 = %while3A_31 to %while3A_37 step %while3A_38  : i32 {
      %dma_wait3A = arith.constant 0 : i32
      %dma_wait3A_50 = arith.constant 0 : i32
      %dma_wait3A_51 = arith.constant 0 : i32
      %dma_wait3A_52 = arith.constant 0 : i32
      %dma_wait3A_53 = tpu.memref_slice %arg5[%dma_wait3A_50, %dma_wait3A_51, %dma_wait3A_52] : memref<1x32x40xi32, #tpu.memory_space<vmem>> -> memref<1x32x40xi32, #tpu.memory_space<vmem>>
      %dma_wait3A_54 = tpu.memref_squeeze %dma_wait3A_53 : memref<1x32x40xi32, #tpu.memory_space<vmem>> -> memref<32x40xi32, #tpu.memory_space<vmem>>
      %dma_wait3A_55 = arith.constant 0 : i32
      %dma_wait3A_56 = arith.constant 0 : i32
      %dma_wait3A_57 = tpu.memref_slice %arg3[%dma_wait3A, %dma_wait3A_55, %dma_wait3A_56] : memref<20x32x40xi32, #tpu.memory_space<hbm>> -> memref<1x32x40xi32, #tpu.memory_space<hbm>>
      %dma_wait3A_58 = tpu.memref_squeeze %dma_wait3A_57 : memref<1x32x40xi32, #tpu.memory_space<hbm>> -> memref<32x40xi32, #tpu.memory_space<hbm>>
      %dma_wait3A_59 = arith.constant 0 : i32
      %dma_wait3A_60 = arith.constant 0 : i32
      %dma_wait3A_61 = tpu.memref_slice %arg5[%dma_wait3A_50, %dma_wait3A_59, %dma_wait3A_60] : memref<1x32x40xi32, #tpu.memory_space<vmem>> -> memref<1x32x40xi32, #tpu.memory_space<vmem>>
      %dma_wait3A_62 = tpu.memref_squeeze %dma_wait3A_61 : memref<1x32x40xi32, #tpu.memory_space<vmem>> -> memref<32x40xi32, #tpu.memory_space<vmem>>
      %dma_wait3A_63 = arith.constant 0 : i32
      %dma_wait3A_64 = arith.constant 0 : i32
      %dma_wait3A_65 = tpu.memref_slice %arg3[%dma_wait3A, %dma_wait3A_63, %dma_wait3A_64] : memref<20x32x40xi32, #tpu.memory_space<hbm>> -> memref<1x32x40xi32, #tpu.memory_space<hbm>>
      %dma_wait3A_66 = tpu.memref_squeeze %dma_wait3A_65 : memref<1x32x40xi32, #tpu.memory_space<hbm>> -> memref<32x40xi32, #tpu.memory_space<hbm>>
      tpu.wait_dma2 semaphore(%arg7 : memref<!tpu.dma_semaphore, #tpu.memory_space<semaphore_mem>>) src(%dma_wait3A_66 : memref<32x40xi32, #tpu.memory_space<hbm>>) dst(%dma_wait3A_62 : memref<32x40xi32, #tpu.memory_space<vmem>>)
    }
    %while3A_39 = arith.constant 1 : i32
    scf.for %while3A_49 = %while3A_37 to %while3A_33 step %while3A_39  : i32 {
      %dma_wait3A = arith.constant 0 : i32
      %dma_wait3A_50 = arith.constant 0 : i32
      %dma_wait3A_51 = arith.constant 0 : i32
      %dma_wait3A_52 = arith.constant 0 : i32
      %dma_wait3A_53 = tpu.memref_slice %arg5[%dma_wait3A_50, %dma_wait3A_51, %dma_wait3A_52] : memref<1x32x40xi32, #tpu.memory_space<vmem>> -> memref<1x32x40xi32, #tpu.memory_space<vmem>>
      %dma_wait3A_54 = tpu.memref_squeeze %dma_wait3A_53 : memref<1x32x40xi32, #tpu.memory_space<vmem>> -> memref<32x40xi32, #tpu.memory_space<vmem>>
      %dma_wait3A_55 = arith.constant 0 : i32
      %dma_wait3A_56 = arith.constant 0 : i32
      %dma_wait3A_57 = tpu.memref_slice %arg3[%dma_wait3A, %dma_wait3A_55, %dma_wait3A_56] : memref<20x32x40xi32, #tpu.memory_space<hbm>> -> memref<1x32x40xi32, #tpu.memory_space<hbm>>
      %dma_wait3A_58 = tpu.memref_squeeze %dma_wait3A_57 : memref<1x32x40xi32, #tpu.memory_space<hbm>> -> memref<32x40xi32, #tpu.memory_space<hbm>>
      %dma_wait3A_59 = arith.constant 0 : i32
      %dma_wait3A_60 = arith.constant 0 : i32
      %dma_wait3A_61 = tpu.memref_slice %arg5[%dma_wait3A_50, %dma_wait3A_59, %dma_wait3A_60] : memref<1x32x40xi32, #tpu.memory_space<vmem>> -> memref<1x32x40xi32, #tpu.memory_space<vmem>>
      %dma_wait3A_62 = tpu.memref_squeeze %dma_wait3A_61 : memref<1x32x40xi32, #tpu.memory_space<vmem>> -> memref<32x40xi32, #tpu.memory_space<vmem>>
      %dma_wait3A_63 = arith.constant 0 : i32
      %dma_wait3A_64 = arith.constant 0 : i32
      %dma_wait3A_65 = tpu.memref_slice %arg3[%dma_wait3A, %dma_wait3A_63, %dma_wait3A_64] : memref<20x32x40xi32, #tpu.memory_space<hbm>> -> memref<1x32x40xi32, #tpu.memory_space<hbm>>
      %dma_wait3A_66 = tpu.memref_squeeze %dma_wait3A_65 : memref<1x32x40xi32, #tpu.memory_space<hbm>> -> memref<32x40xi32, #tpu.memory_space<hbm>>
      tpu.wait_dma2 semaphore(%arg7 : memref<!tpu.dma_semaphore, #tpu.memory_space<semaphore_mem>>) src(%dma_wait3A_66 : memref<32x40xi32, #tpu.memory_space<hbm>>) dst(%dma_wait3A_62 : memref<32x40xi32, #tpu.memory_space<vmem>>)
    }
    %while3A_40 = arith.constant 0 : i32
    %while3A_41 = arith.subi %select_n3A, %while3A_40 : i32
    %while3A_42 = arith.addi %while3A_40, %while3A_41 : i32
    %while3A_43 = arith.constant 1 : i32
    %while3A_44 = arith.divsi %while3A_41, %while3A_43 : i32
    %while3A_45 = arith.muli %while3A_44, %while3A_43 : i32
    %while3A_46 = arith.addi %while3A_40, %while3A_45 : i32
    %while3A_47 = arith.constant 1 : i32
    scf.for %while3A_49 = %while3A_40 to %while3A_46 step %while3A_47  : i32 {
      %dma_start3A = arith.constant 0 : i32
      %dma_start3A_50 = arith.constant 0 : i32
      %dma_start3A_51 = tpu.memref_slice %arg5[%while3A_49, %dma_start3A, %dma_start3A_50] : memref<1x32x40xi32, #tpu.memory_space<vmem>> -> memref<1x1x40xi32, #tpu.memory_space<vmem>>
      %dma_start3A_52 = tpu.memref_squeeze %dma_start3A_51 : memref<1x1x40xi32, #tpu.memory_space<vmem>> -> memref<40xi32, #tpu.memory_space<vmem>>
      %dma_start3A_53 = arith.constant 0 : i32
      %dma_start3A_54 = arith.constant 0 : i32
      %dma_start3A_55 = tpu.memref_slice %arg2[%dma_start3A_53, %dma_start3A_54] : memref<320000x128xf32, #tpu.memory_space<hbm>> -> memref<320000x128xf32, #tpu.memory_space<hbm>>
      tpu.enqueue_indirect_dma source(%dma_start3A_55 : memref<320000x128xf32, #tpu.memory_space<hbm>>) target(%arg6 : memref<40x128xf32, #tpu.memory_space<vmem>>) offsets(%dma_start3A_52 : memref<40xi32, #tpu.memory_space<vmem>>) semaphore(%arg8 : memref<!tpu.dma_semaphore, #tpu.memory_space<semaphore_mem>>)
      %dma_wait3A = arith.constant 0 : i32
      %dma_wait3A_56 = arith.constant 0 : i32
      %dma_wait3A_57 = tpu.memref_slice %arg5[%while3A_49, %dma_wait3A, %dma_wait3A_56] : memref<1x32x40xi32, #tpu.memory_space<vmem>> -> memref<1x1x40xi32, #tpu.memory_space<vmem>>
      %dma_wait3A_58 = tpu.memref_squeeze %dma_wait3A_57 : memref<1x1x40xi32, #tpu.memory_space<vmem>> -> memref<40xi32, #tpu.memory_space<vmem>>
      %dma_wait3A_59 = arith.constant 0 : i32
      %dma_wait3A_60 = arith.constant 0 : i32
      %dma_wait3A_61 = tpu.memref_slice %arg2[%dma_wait3A_59, %dma_wait3A_60] : memref<320000x128xf32, #tpu.memory_space<hbm>> -> memref<320000x128xf32, #tpu.memory_space<hbm>>
      tpu.wait_indirect_dma semaphore(%arg8 : memref<!tpu.dma_semaphore, #tpu.memory_space<semaphore_mem>>) src(%dma_wait3A_61 : memref<320000x128xf32, #tpu.memory_space<hbm>>) dst(%arg6 : memref<40x128xf32, #tpu.memory_space<vmem>>)
      %scan3A = arith.constant 1 : i32
      %scan3A_62 = arith.constant 31 : i32
      %scan3A_63 = arith.addi %scan3A, %scan3A_62 : i32
      %scan3A_64 = arith.constant 1 : i32
      scf.for %scan3A_76 = %scan3A to %scan3A_63 step %scan3A_64  : i32 {
        %dma_start3A_77 = arith.constant 0 : i32
        %dma_start3A_78 = tpu.memref_slice %arg5[%while3A_49, %scan3A_76, %dma_start3A_77] : memref<1x32x40xi32, #tpu.memory_space<vmem>> -> memref<1x1x40xi32, #tpu.memory_space<vmem>>
        %dma_start3A_79 = tpu.memref_squeeze %dma_start3A_78 : memref<1x1x40xi32, #tpu.memory_space<vmem>> -> memref<40xi32, #tpu.memory_space<vmem>>
        %dma_start3A_80 = arith.constant 0 : i32
        %dma_start3A_81 = arith.constant 0 : i32
        %dma_start3A_82 = tpu.memref_slice %arg2[%dma_start3A_80, %dma_start3A_81] : memref<320000x128xf32, #tpu.memory_space<hbm>> -> memref<320000x128xf32, #tpu.memory_space<hbm>>
        tpu.enqueue_indirect_dma source(%dma_start3A_82 : memref<320000x128xf32, #tpu.memory_space<hbm>>) target(%arg6 : memref<40x128xf32, #tpu.memory_space<vmem>>) offsets(%dma_start3A_79 : memref<40xi32, #tpu.memory_space<vmem>>) semaphore(%arg8 : memref<!tpu.dma_semaphore, #tpu.memory_space<semaphore_mem>>) {add = true}
      }
      %scan3A_65 = arith.constant 31 : i32
      %scan3A_66 = arith.constant 1 : i32
      %scan3A_67 = arith.constant 31 : i32
      %scan3A_68 = arith.addi %scan3A_66, %scan3A_67 : i32
      %scan3A_69 = arith.constant 1 : i32
      scf.for %scan3A_76 = %scan3A_66 to %scan3A_68 step %scan3A_69  : i32 {
        %dma_wait3A_77 = arith.constant 0 : i32
        %dma_wait3A_78 = arith.constant 0 : i32
        %dma_wait3A_79 = arith.constant 0 : i32
        %dma_wait3A_80 = tpu.memref_slice %arg5[%dma_wait3A_77, %dma_wait3A_78, %dma_wait3A_79] : memref<1x32x40xi32, #tpu.memory_space<vmem>> -> memref<1x1x40xi32, #tpu.memory_space<vmem>>
        %dma_wait3A_81 = tpu.memref_squeeze %dma_wait3A_80 : memref<1x1x40xi32, #tpu.memory_space<vmem>> -> memref<40xi32, #tpu.memory_space<vmem>>
        %dma_wait3A_82 = arith.constant 0 : i32
        %dma_wait3A_83 = arith.constant 0 : i32
        %dma_wait3A_84 = tpu.memref_slice %arg2[%dma_wait3A_82, %dma_wait3A_83] : memref<320000x128xf32, #tpu.memory_space<hbm>> -> memref<320000x128xf32, #tpu.memory_space<hbm>>
        tpu.wait_indirect_dma semaphore(%arg8 : memref<!tpu.dma_semaphore, #tpu.memory_space<semaphore_mem>>) src(%dma_wait3A_84 : memref<320000x128xf32, #tpu.memory_space<hbm>>) dst(%arg6 : memref<40x128xf32, #tpu.memory_space<vmem>>)
      }
      %scan3A_70 = arith.constant 31 : i32
      %mul3A_71 = arith.constant 32 : i32
      %mul3A_72 = arith.muli %while3A_49, %mul3A_71 : i32
      %add3A_73 = arith.addi %add3A, %mul3A_72 : i32
      %mul3A_74 = arith.constant 40 : i32
      %mul3A_75 = arith.muli %add3A_73, %mul3A_74 : i32
      "tpu.region"() ({
        %run_scoped3A = tpu.sem_alloc : memref<!tpu.dma_semaphore, #tpu.memory_space<semaphore_mem>>
        %dma_start3A_76 = arith.constant 0 : i32
        %dma_start3A_77 = tpu.memref_slice %arg4[%mul3A_75, %dma_start3A_76] : memref<800x128xf32, #tpu.memory_space<hbm>> -> memref<40x128xf32, #tpu.memory_space<hbm>>
        %dma_start3A_78 = arith.constant 0 : i32
        %dma_start3A_79 = tpu.memref_slice %arg4[%mul3A_75, %dma_start3A_78] : memref<800x128xf32, #tpu.memory_space<hbm>> -> memref<40x128xf32, #tpu.memory_space<hbm>>
        tpu.enqueue_dma source(%arg6 : memref<40x128xf32, #tpu.memory_space<vmem>>) target(%dma_start3A_79 : memref<40x128xf32, #tpu.memory_space<hbm>>) target_semaphore(%run_scoped3A : memref<!tpu.dma_semaphore, #tpu.memory_space<semaphore_mem>>)
        %dma_wait3A_80 = arith.constant 0 : i32
        %dma_wait3A_81 = tpu.memref_slice %arg4[%mul3A_75, %dma_wait3A_80] : memref<800x128xf32, #tpu.memory_space<hbm>> -> memref<40x128xf32, #tpu.memory_space<hbm>>
        %dma_wait3A_82 = arith.constant 0 : i32
        %dma_wait3A_83 = tpu.memref_slice %arg4[%mul3A_75, %dma_wait3A_82] : memref<800x128xf32, #tpu.memory_space<hbm>> -> memref<40x128xf32, #tpu.memory_space<hbm>>
        tpu.wait_dma2 semaphore(%run_scoped3A : memref<!tpu.dma_semaphore, #tpu.memory_space<semaphore_mem>>) src(%arg6 : memref<40x128xf32, #tpu.memory_space<vmem>>) dst(%dma_wait3A_83 : memref<40x128xf32, #tpu.memory_space<hbm>>)
        tpu.yield
      }) : () -> ()
    }
    %while3A_48 = arith.constant 1 : i32
    scf.for %while3A_49 = %while3A_46 to %while3A_42 step %while3A_48  : i32 {
      %dma_start3A = arith.constant 0 : i32
      %dma_start3A_50 = arith.constant 0 : i32
      %dma_start3A_51 = tpu.memref_slice %arg5[%while3A_49, %dma_start3A, %dma_start3A_50] : memref<1x32x40xi32, #tpu.memory_space<vmem>> -> memref<1x1x40xi32, #tpu.memory_space<vmem>>
      %dma_start3A_52 = tpu.memref_squeeze %dma_start3A_51 : memref<1x1x40xi32, #tpu.memory_space<vmem>> -> memref<40xi32, #tpu.memory_space<vmem>>
      %dma_start3A_53 = arith.constant 0 : i32
      %dma_start3A_54 = arith.constant 0 : i32
      %dma_start3A_55 = tpu.memref_slice %arg2[%dma_start3A_53, %dma_start3A_54] : memref<320000x128xf32, #tpu.memory_space<hbm>> -> memref<320000x128xf32, #tpu.memory_space<hbm>>
      tpu.enqueue_indirect_dma source(%dma_start3A_55 : memref<320000x128xf32, #tpu.memory_space<hbm>>) target(%arg6 : memref<40x128xf32, #tpu.memory_space<vmem>>) offsets(%dma_start3A_52 : memref<40xi32, #tpu.memory_space<vmem>>) semaphore(%arg8 : memref<!tpu.dma_semaphore, #tpu.memory_space<semaphore_mem>>)
      %dma_wait3A = arith.constant 0 : i32
      %dma_wait3A_56 = arith.constant 0 : i32
      %dma_wait3A_57 = tpu.memref_slice %arg5[%while3A_49, %dma_wait3A, %dma_wait3A_56] : memref<1x32x40xi32, #tpu.memory_space<vmem>> -> memref<1x1x40xi32, #tpu.memory_space<vmem>>
      %dma_wait3A_58 = tpu.memref_squeeze %dma_wait3A_57 : memref<1x1x40xi32, #tpu.memory_space<vmem>> -> memref<40xi32, #tpu.memory_space<vmem>>
      %dma_wait3A_59 = arith.constant 0 : i32
      %dma_wait3A_60 = arith.constant 0 : i32
      %dma_wait3A_61 = tpu.memref_slice %arg2[%dma_wait3A_59, %dma_wait3A_60] : memref<320000x128xf32, #tpu.memory_space<hbm>> -> memref<320000x128xf32, #tpu.memory_space<hbm>>
      tpu.wait_indirect_dma semaphore(%arg8 : memref<!tpu.dma_semaphore, #tpu.memory_space<semaphore_mem>>) src(%dma_wait3A_61 : memref<320000x128xf32, #tpu.memory_space<hbm>>) dst(%arg6 : memref<40x128xf32, #tpu.memory_space<vmem>>)
      %scan3A = arith.constant 1 : i32
      %scan3A_62 = arith.constant 31 : i32
      %scan3A_63 = arith.addi %scan3A, %scan3A_62 : i32
      %scan3A_64 = arith.constant 1 : i32
      scf.for %scan3A_76 = %scan3A to %scan3A_63 step %scan3A_64  : i32 {
        %dma_start3A_77 = arith.constant 0 : i32
        %dma_start3A_78 = tpu.memref_slice %arg5[%while3A_49, %scan3A_76, %dma_start3A_77] : memref<1x32x40xi32, #tpu.memory_space<vmem>> -> memref<1x1x40xi32, #tpu.memory_space<vmem>>
        %dma_start3A_79 = tpu.memref_squeeze %dma_start3A_78 : memref<1x1x40xi32, #tpu.memory_space<vmem>> -> memref<40xi32, #tpu.memory_space<vmem>>
        %dma_start3A_80 = arith.constant 0 : i32
        %dma_start3A_81 = arith.constant 0 : i32
        %dma_start3A_82 = tpu.memref_slice %arg2[%dma_start3A_80, %dma_start3A_81] : memref<320000x128xf32, #tpu.memory_space<hbm>> -> memref<320000x128xf32, #tpu.memory_space<hbm>>
        tpu.enqueue_indirect_dma source(%dma_start3A_82 : memref<320000x128xf32, #tpu.memory_space<hbm>>) target(%arg6 : memref<40x128xf32, #tpu.memory_space<vmem>>) offsets(%dma_start3A_79 : memref<40xi32, #tpu.memory_space<vmem>>) semaphore(%arg8 : memref<!tpu.dma_semaphore, #tpu.memory_space<semaphore_mem>>) {add = true}
      }
      %scan3A_65 = arith.constant 31 : i32
      %scan3A_66 = arith.constant 1 : i32
      %scan3A_67 = arith.constant 31 : i32
      %scan3A_68 = arith.addi %scan3A_66, %scan3A_67 : i32
      %scan3A_69 = arith.constant 1 : i32
      scf.for %scan3A_76 = %scan3A_66 to %scan3A_68 step %scan3A_69  : i32 {
        %dma_wait3A_77 = arith.constant 0 : i32
        %dma_wait3A_78 = arith.constant 0 : i32
        %dma_wait3A_79 = arith.constant 0 : i32
        %dma_wait3A_80 = tpu.memref_slice %arg5[%dma_wait3A_77, %dma_wait3A_78, %dma_wait3A_79] : memref<1x32x40xi32, #tpu.memory_space<vmem>> -> memref<1x1x40xi32, #tpu.memory_space<vmem>>
        %dma_wait3A_81 = tpu.memref_squeeze %dma_wait3A_80 : memref<1x1x40xi32, #tpu.memory_space<vmem>> -> memref<40xi32, #tpu.memory_space<vmem>>
        %dma_wait3A_82 = arith.constant 0 : i32
        %dma_wait3A_83 = arith.constant 0 : i32
        %dma_wait3A_84 = tpu.memref_slice %arg2[%dma_wait3A_82, %dma_wait3A_83] : memref<320000x128xf32, #tpu.memory_space<hbm>> -> memref<320000x128xf32, #tpu.memory_space<hbm>>
        tpu.wait_indirect_dma semaphore(%arg8 : memref<!tpu.dma_semaphore, #tpu.memory_space<semaphore_mem>>) src(%dma_wait3A_84 : memref<320000x128xf32, #tpu.memory_space<hbm>>) dst(%arg6 : memref<40x128xf32, #tpu.memory_space<vmem>>)
      }
      %scan3A_70 = arith.constant 31 : i32
      %mul3A_71 = arith.constant 32 : i32
      %mul3A_72 = arith.muli %while3A_49, %mul3A_71 : i32
      %add3A_73 = arith.addi %add3A, %mul3A_72 : i32
      %mul3A_74 = arith.constant 40 : i32
      %mul3A_75 = arith.muli %add3A_73, %mul3A_74 : i32
      "tpu.region"() ({
        %run_scoped3A = tpu.sem_alloc : memref<!tpu.dma_semaphore, #tpu.memory_space<semaphore_mem>>
        %dma_start3A_76 = arith.constant 0 : i32
        %dma_start3A_77 = tpu.memref_slice %arg4[%mul3A_75, %dma_start3A_76] : memref<800x128xf32, #tpu.memory_space<hbm>> -> memref<40x128xf32, #tpu.memory_space<hbm>>
        %dma_start3A_78 = arith.constant 0 : i32
        %dma_start3A_79 = tpu.memref_slice %arg4[%mul3A_75, %dma_start3A_78] : memref<800x128xf32, #tpu.memory_space<hbm>> -> memref<40x128xf32, #tpu.memory_space<hbm>>
        tpu.enqueue_dma source(%arg6 : memref<40x128xf32, #tpu.memory_space<vmem>>) target(%dma_start3A_79 : memref<40x128xf32, #tpu.memory_space<hbm>>) target_semaphore(%run_scoped3A : memref<!tpu.dma_semaphore, #tpu.memory_space<semaphore_mem>>)
        %dma_wait3A_80 = arith.constant 0 : i32
        %dma_wait3A_81 = tpu.memref_slice %arg4[%mul3A_75, %dma_wait3A_80] : memref<800x128xf32, #tpu.memory_space<hbm>> -> memref<40x128xf32, #tpu.memory_space<hbm>>
        %dma_wait3A_82 = arith.constant 0 : i32
        %dma_wait3A_83 = tpu.memref_slice %arg4[%mul3A_75, %dma_wait3A_82] : memref<800x128xf32, #tpu.memory_space<hbm>> -> memref<40x128xf32, #tpu.memory_space<hbm>>
        tpu.wait_dma2 semaphore(%run_scoped3A : memref<!tpu.dma_semaphore, #tpu.memory_space<semaphore_mem>>) src(%arg6 : memref<40x128xf32, #tpu.memory_space<vmem>>) dst(%dma_wait3A_83 : memref<40x128xf32, #tpu.memory_space<hbm>>)
        tpu.yield
      }) : () -> ()
    }
    return
  }
}

module attributes {stable_mosaic.version = 14 : i64} {
  func.func @_mm_body(%arg0: memref<800x128xf32, #tpu.memory_space<vmem>>, %arg1: memref<128x128xf32, #tpu.memory_space<vmem>>, %arg2: memref<800x128xf32, #tpu.memory_space<vmem>>) attributes {dimension_semantics = [], scalar_prefetch = 0 : i64, scratch_operands = 0 : i64, tpu.core_type = #tpu.core_type<tc>} {
    %get3A = arith.constant 0 : index
    %get3A_0 = arith.constant 0 : index
    %get3A_1 = vector.load %arg0[%get3A, %get3A_0] : memref<800x128xf32, #tpu.memory_space<vmem>>, vector<800x128xf32>
    %get3A_2 = arith.constant 0 : index
    %get3A_3 = arith.constant 0 : index
    %get3A_4 = vector.load %arg1[%get3A_2, %get3A_3] : memref<128x128xf32, #tpu.memory_space<vmem>>, vector<128x128xf32>
    %dot_general3A = arith.constant dense<0.000000e+00> : vector<800x128xf32>
    %dot_general3A_5 = tpu.matmul %get3A_1, %get3A_4, %dot_general3A {dimension_numbers = #tpu.dot_dimension_numbers<[1], [0], [0], [1], [0, 0, 1, 1], [], []>, transpose_lhs_hint = false} : vector<800x128xf32>, vector<128x128xf32>, vector<800x128xf32> -> vector<800x128xf32>
    %swap3A = arith.constant 0 : index
    %swap3A_6 = arith.constant 0 : index
    %swap3A_7 = vector.load %arg2[%swap3A, %swap3A_6] : memref<800x128xf32, #tpu.memory_space<vmem>>, vector<800x128xf32>
    tpu.vector_store %arg2[%swap3A, %swap3A_6], %dot_general3A_5 {strides = array<i32>} : memref<800x128xf32, #tpu.memory_space<vmem>>, vector<800x128xf32>,
    return
  }
}

module attributes {stable_mosaic.version = 14 : i64} {
  func.func @_tc_body(%arg0: i32, %arg1: memref<400x32x128xf32, #tpu.memory_space<vmem>>, %arg2: memref<128x128xf32, #tpu.memory_space<vmem>>, %arg3: memref<400x128xf32, #tpu.memory_space<vmem>>) attributes {dimension_semantics = [#tpu.dimension_semantics<arbitrary>], iteration_bounds = array<i64: 23>, scalar_prefetch = 0 : i64, scratch_operands = 0 : i64, tpu.core_type = #tpu.core_type<tc>, window_params = [{transform_indices = @transform_0, window_bounds = array<i64: 400, 32, 128>}, {pipeline_mode = #tpu.pipeline_mode<synchronous>, transform_indices = @transform_1, window_bounds = array<i64: 128, 128>}, {transform_indices = @transform_2, window_bounds = array<i64: 400, 128>}]} {
    %get3A = arith.constant 0 : index
    %get3A_0 = arith.constant 0 : index
    %get3A_1 = arith.constant 0 : index
    %get3A_2 = vector.load %arg1[%get3A, %get3A_0, %get3A_1] : memref<400x32x128xf32, #tpu.memory_space<vmem>>, vector<400x32x128xf32>
    %reduce_sum3A = arith.constant dense<0.000000e+00> : vector<400x128xf32>
    %reduce_sum3A_3 = vector.multi_reduction <add>, %get3A_2, %reduce_sum3A [1] : vector<400x32x128xf32> to vector<400x128xf32>
    %mul3A = arith.constant 3.125000e-02 : f32
    %mul3A_4 = vector.broadcast %mul3A : f32 to vector<400x128xf32>
    %mul3A_5 = arith.mulf %reduce_sum3A_3, %mul3A_4 : vector<400x128xf32>
    %get3A_6 = arith.constant 0 : index
    %get3A_7 = arith.constant 0 : index
    %get3A_8 = vector.load %arg2[%get3A_6, %get3A_7] : memref<128x128xf32, #tpu.memory_space<vmem>>, vector<128x128xf32>
    %dot_general3A = arith.constant dense<0.000000e+00> : vector<400x128xf32>
    %dot_general3A_9 = tpu.matmul %mul3A_5, %get3A_8, %dot_general3A {dimension_numbers = #tpu.dot_dimension_numbers<[1], [0], [0], [1], [0, 0, 1, 1], [], []>, transpose_lhs_hint = false} : vector<400x128xf32>, vector<128x128xf32>, vector<400x128xf32> -> vector<400x128xf32>
    %swap3A = arith.constant 0 : index
    %swap3A_10 = arith.constant 0 : index
    %swap3A_11 = vector.load %arg3[%swap3A, %swap3A_10] : memref<400x128xf32, #tpu.memory_space<vmem>>, vector<400x128xf32>
    tpu.vector_store %arg3[%swap3A, %swap3A_10], %dot_general3A_9 {strides = array<i32>} : memref<400x128xf32, #tpu.memory_space<vmem>>, vector<400x128xf32>,
    return
  }
  func.func @transform_0(%arg0: i32) -> (i32, i32, i32) {
    %add3A = arith.constant 2 : i32
    %add3A_0 = arith.addi %arg0, %add3A : i32
    %c0_i32 = arith.constant 0 : i32
    %c0_i32_1 = arith.constant 0 : i32
    %c0_i32_2 = arith.constant 0 : i32
    return %add3A_0, %c0_i32, %c0_i32_1 : i32, i32, i32
  }
  func.func @transform_1(%arg0: i32) -> (i32, i32) {
    %c0_i32 = arith.constant 0 : i32
    %c0_i32_0 = arith.constant 0 : i32
    %c0_i32_1 = arith.constant 0 : i32
    return %c0_i32, %c0_i32_0 : i32, i32
  }
  func.func @transform_2(%arg0: i32) -> (i32, i32) {
    %c0_i32 = arith.constant 0 : i32
    %c0_i32_0 = arith.constant 0 : i32
    return %arg0, %c0_i32 : i32, i32
  }
}

</mosaic_0001>

<sc_bundles>
// kernel: kernel.5.cloned.1.call-start
scs
__scs_entry_jumppad:
0x0: {  	(pc) =	sbr.rel $0x88, $3  }
0x1: {  	(tag) =	ssettag $0x0;
	lr =	simm.s32 $0x1  }
0x2: {  	[smem:$0x3F9F] =	sst lr;
	_ =	strace $0xD0000000  }
0x3: {  	_ = 	snop  }
0x4: {  	_ = 	snop  }
0x5: {  	_ = 	snop  }
0x6: {  	_ = 	snop  }
0x7: {  	_ = 	snop  }
__scs_overlays_trampoline_lowered:
0x8: {  	[smem:$0x3FAE] =	sst s0  }
0x9: {  	[smem:$0x3FAF] =	sst s1  }
0xa: {  	[smem:$0x3FB0] =	sst s2  }
0xb: {  	[smem:$0x3FB1] =	sst s3  }
0xc: {  	[smem:$0x3FB2] =	sst s4  }
0xd: {  	[smem:$0x3FB3] =	sst s5  }
0xe: {  	[smem:$0x3FB4] =	sst s6  }
0xf: {  	[smem:$0x3FB5] =	sst s7  }
0x10: {  	[smem:$0x3FB6] =	sst s8  }
0x11: {  	[smem:$0x3FB7] =	sst s9;
	s0 =	simm.s32 @!p0 $0x0  }
0x12: {  	s1 =	sld [smem:$0x3F9D];
	s0 =	simm.s32 @p0 $0x1  }
0x13: {  	[smem:$0x3FB8] =	sst s0;
	s0 =	simm.s32 @!p1 $0x0  }
0x14: {  	s2 =	sld [smem:$0x3F9C];
	s0 =	simm.s32 @p1 $0x1  }
0x15: {  	[smem:$0x3FB9] =	sst s0;
	s0 =	simm.s32 @!p2 $0x0  }
0x16: {  	s3 =	sld [smem:$0x3FDB];
	s0 =	simm.s32 @p2 $0x1  }
0x17: {  	s4 =	simm.s32 $0x1BF5;
	[smem:$0x3FBB] =	sst s0  }
0x18: {  	s0 =	sld [smem:$0x3F9E];
	_ =	swait.ge [sflag:s4], $0x0  }
0x19: {  	s7 =	sld [smem:$0x3F9F]  }
0x1a: {  	s8 =	sadd.s32 $0xFFFFE003, lr  }
0x1b: {  	s9 =	sadd.s32 $0xFFFFFEF7, lr;
	s5 =	simm.s32 $0xFFFFFFFF;
	p2 =	slt.u32 s8, $0xFFFFF086  }
0x1c: {  	p1 =	slt.u32 s9, $0xF7A;
	s5 =	simm.s32 @!p2 $0x0  }
0x1d: {  	s5 =	simm.s32 @p1 $0x1;
	p0 =	seq.s32 s7, s2  }
0x1e: {  	s7 =	smul.u32 @!p0 $0xF7A, s2;
	p2 =	seq.s32 @!p0 s5, $0x0  }
0x1f: {  	s9 =	smul.u32 $0xF7A, s1;
	s8 =	simm.s32 @!p0 $0x1BF5;
	p2 =	por !p2, p0  }
0x20: {  	[sflag:s8] =	ssyncset.s32 @!p0 $0xFFFFF086;
	s6 =	sadd.s32 @!p0 s3, s7;
	s7 =	simm.s32 @!p0 $0x108  }
0x21: {  	s3 =	sadd.s32 s3, s9;
	s6 =	sadd.s32 @!p0 $0x88, s6;
	s7 =	simm.s32 @p2 $0x1082  }
0x22: {  	[simem:s7], [sflag:s8] =	dma.local @!p0 [hbm:s6], $0xF7A  }
0x23: {  	s9 =	sor.u32 $0xD0000000, s2;
	s6 =	simm.s32 $0x108;
	_ =	swait.ge @!p0 [sflag:s8], $0x0  }
0x24: {  	s3 =	sadd.s32 $0x88, s3;
	s6 =	simm.s32 @!p1 $0x1082;
	[sflag:s4] =	ssyncset.s32 $0xFFFFF086  }
0x25: {  	[simem:s6], [sflag:s4] =	dma.local [hbm:s3], $0xF7A  }
0x26: {  	[smem:$0x3F9F] =	sst s1;
	(tag) =	ssettag s2;
	_ =	strace s9  }
0x27: {  	s1 =	sld [smem:$0x3FAF]  }
0x28: {  	s2 =	sld [smem:$0x3FB0]  }
0x29: {  	s4 =	sld [smem:$0x3FB2]  }
0x2a: {  	p0 =	seq.s32 s5, $0x0;
	s5 =	sld [smem:$0x3FB3]  }
0x2b: {  	s6 =	sld [smem:$0x3FB4]  }
0x2c: {  	s7 =	sld [smem:$0x3FB5]  }
0x2d: {  	s3 =	simm.s32 $0x108;
	s8 =	sld [smem:$0x3FB6]  }
0x2e: {  	s3 =	simm.s32 @!p0 $0x1082;
	s9 =	sld [smem:$0x3FB7]  }
0x2f: {  	lr =	sadd.s32 s0, s3;
	s0 =	sld [smem:$0x3FAE]  }
0x30: {  	s3 =	sld [smem:$0x3FB1]  }
0x31: {  	[smem:$0x3FBA] =	sst s10  }
0x32: {  	s10 =	sld [smem:$0x3FB8];
	_ =	sdelay $0x3  }
0x33: {  	p0 =	seq.s32 s10, $0x1;
	s10 =	sld [smem:$0x3FBA];
	_ =	sdelay $0x3  }
0x34: {  	[smem:$0x3FBA] =	sst s10  }
0x35: {  	s10 =	sld [smem:$0x3FB9];
	_ =	sdelay $0x3  }
0x36: {  	p1 =	seq.s32 s10, $0x1;
	s10 =	sld [smem:$0x3FBA];
	_ =	sdelay $0x3  }
0x37: {  	[smem:$0x3FBA] =	sst s10  }
0x38: {  	s10 =	sld [smem:$0x3FBB]  }
0x39: {  	_ = 	snop;
	(pc) =	sbr.ind lr, $3  }
0x3a: {  	_ = 	snop  }
0x3b: {  	_ = 	snop  }
0x3c: {  	p2 =	seq.s32 s10, $0x1;
	s10 =	sld [smem:$0x3FBA]  }
0x3d: {  	_ =	shalt  }
0x3e: {  	_ =	shalt  }
0x3f: {  	_ =	shalt  }
0x40: {  	_ =	shalt  }
0x41: {  	_ =	shalt  }
0x42: {  	_ =	shalt  }
0x43: {  	_ =	shalt  }
0x44: {  	_ =	shalt  }
0x45: {  	_ =	shalt  }
0x46: {  	_ =	shalt  }
0x47: {  	_ =	shalt  }
0x48: {  	_ =	shalt  }
0x49: {  	_ =	shalt  }
0x4a: {  	_ =	shalt  }
0x4b: {  	_ =	shalt  }
0x4c: {  	_ =	shalt  }
0x4d: {  	_ =	shalt  }
0x4e: {  	_ =	shalt  }
0x4f: {  	_ =	shalt  }
0x50: {  	_ =	shalt  }
0x51: {  	_ =	shalt  }
0x52: {  	_ =	shalt  }
0x53: {  	_ =	shalt  }
0x54: {  	_ =	shalt  }
0x55: {  	_ =	shalt  }
0x56: {  	_ =	shalt  }
0x57: {  	_ =	shalt  }
0x58: {  	_ =	shalt  }
0x59: {  	_ =	shalt  }
0x5a: {  	_ =	shalt  }
0x5b: {  	_ =	shalt  }
0x5c: {  	_ =	shalt  }
0x5d: {  	_ =	shalt  }
0x5e: {  	_ =	shalt  }
0x5f: {  	_ =	shalt  }
0x60: {  	_ =	shalt  }
0x61: {  	_ =	shalt  }
0x62: {  	_ =	shalt  }
0x63: {  	_ =	shalt  }
0x64: {  	_ =	shalt  }
0x65: {  	_ =	shalt  }
0x66: {  	_ =	shalt  }
0x67: {  	_ =	shalt  }
0x68: {  	_ =	shalt  }
0x69: {  	_ =	shalt  }
0x6a: {  	_ =	shalt  }
0x6b: {  	_ =	shalt  }
0x6c: {  	_ =	shalt  }
0x6d: {  	_ =	shalt  }
0x6e: {  	_ =	shalt  }
0x6f: {  	_ =	shalt  }
0x70: {  	_ =	shalt  }
0x71: {  	_ =	shalt  }
0x72: {  	_ =	shalt  }
0x73: {  	_ =	shalt  }
0x74: {  	_ =	shalt  }
0x75: {  	_ =	shalt  }
0x76: {  	_ =	shalt  }
0x77: {  	_ =	shalt  }
0x78: {  	_ =	shalt  }
0x79: {  	_ =	shalt  }
0x7a: {  	_ =	shalt  }
0x7b: {  	_ =	shalt  }
0x7c: {  	_ =	shalt  }
0x7d: {  	_ =	shalt  }
0x7e: {  	_ =	shalt  }
0x7f: {  	_ =	shalt  }
0x80: {  	_ =	shalt  }
0x81: {  	_ =	shalt  }
0x82: {  	_ =	shalt  }
0x83: {  	_ =	shalt  }
0x84: {  	_ =	shalt  }
0x85: {  	_ =	shalt  }
0x86: {  	_ =	shalt  }
0x87: {  	_ =	shalt  }
.Lfunc_end0:
.L_simem_size_0:
called_computation_lowered:
.L_overlay_start_0:
0x88: {  	s2 =	sld [smem:$0x3FD9]  }
0x89: {  	s3 =	sld [smem:$0x3FFE];
	_ =	sdelay $0x1  }
0x8a: {  	s1 =	srdreg.scid  }
0x8b: {  	s0 =	sand.u32 $0x1, s1  }
0x8c: {  	s17 =	sshll.u32 s0, $0xA;
	s2 =	sadd.s32 s3, s2  }
0x8d: {  	s2 =	sadd.s32 s2, s17  }
0x8e: {  	[smem:$0x3FC6] =	sst s2  }
0x8f: {  	_ = 	snop  }
0x90: {  	s2 =	sld [smem:$0x3FC9]  }
0x91: {  	s18 =	sld [smem:$0x3FD0];
	(tm) =	ssettm $0x1  }
0x92: {  	s4 =	sld [smem:$0x3FFB];
	_ =	sdelay $0x3  }
0x93: {  	_ =	strace s4  }
0x94: {  	s4 =	sld [smem:$0x3FFC];
	_ =	sdelay $0x3  }
0x95: {  	_ =	strace s4  }
0x96: {  	s4 =	sld [smem:$0x3FFD];
	_ =	sdelay $0x3  }
0x97: {  	_ =	strace s4  }
0x98: {  	_ =	strace $0x8FFFFFFF  }
0x99: {  	s19 =	sld [smem:$0x3FDB];
	_ =	sdelay $0x1  }
0x9a: {  	s5 =	simm.s32 $_scs_section_size  }
0x9b: {  	s6 =	simm.s32 $_size__tile_overlayer_lowered;
	s7 =	simm.s32 $_tile_overlayer_lowered  }
0x9c: {  	s22 =	simm.s32 $0x1BFF;
	s21 =	sshll.u32 s7, $0x1;
	s4 =	sadd.s32 s5, s19  }
0x9d: {  	s8 =	simm.s32 $0x0;
	s20 =	sshll.u32 s6, $0x1;
	s6 =	sadd.s32 s21, s4  }
0x9e: {  	[timem:s8], [sflag:s22] =	dma.local [hbm:s6], s20  }
0x9f: {  	_ =	swait.ge [sflag:s22], s20  }
0xa0: {  	s5 =	ssub.s32 $0x0, s20;
	[sflag:s22] =	ssyncset.done $0x0  }
0xa1: {  	[sflag:s22] =	ssyncadd.s32 s5;
	_ =	sdelay $0x1  }
0xa2: {  	s23 =	simm.s32 $0x1B8B  }
0xa3: {  	_ =	swait.ge [sflag:s23], $0x1  }
0xa4: {  	[sflag:s23] =	ssyncset.done $0x0  }
0xa5: {  	s25 =	simm.s32 $0x1B8E;
	s24 =	sld [smem:$0x3FFE];
	[sflag:s23] =	ssyncadd.s32 $0xFFFFFFFF  }
0xa6: {  	s26 =	simm.s32 $execute0_lowered;
	[smem:$0x3FD2] =	sst s25  }
0xa7: {  	s6 =	sshll.u32 s26, $0x1;
	_ =	strace $0x80000046;
	[dreg:$0x1] =	wrdreg $0xFFFFFFFF  }
0xa8: {  	s28 =	simm.s32 $_size_execute0_lowered;
	s4 =	sadd.s32 s4, s6;
	[dreg:$0x0] =	wrdreg $0x0  }
0xa9: {  	s6 =	sshll.u32 s28, $0x1;
	[dreg:$0x2] =	wrdreg s4  }
0xaa: {  	[dreg:$0x3] =	wrdreg s6  }
0xab: {  	[dreg:$0x4] =	wrdreg $0xC0  }
0xac: {  	_ =	task [dreg:s8], $0x5FFFF  }
0xad: {  	[dreg:$0x1] =	wrdreg $0xFFFFFFFF  }
0xae: {  	[dreg:$0x0] =	wrdreg $0x60  }
0xaf: {  	[dreg:$0x2] =	wrdreg s2  }
0xb0: {  	[dreg:$0x3] =	wrdreg s24  }
0xb1: {  	[dreg:$0x4] =	wrdreg s18  }
0xb2: {  	[dreg:$0x5] =	wrdreg $0x9  }
0xb3: {  	_ =	task.clear_ibuf [dreg:s8], $0x6FFFF;
	_ =	strace $0x90000046  }
0xb4: {  	s29 =	simm.s32 $0x9;
	_ =	strace $0x80000048  }
0xb5: {  	_ =	swait.ge [sflag:s29], $0x1  }
0xb6: {  	[sflag:s29] =	ssyncadd.s32 $0xFFFFFFFF  }
0xb7: {  	_ =	strace $0x90000048  }
0xb8: {  	_ =	sfence  }
0xb9: {  	s30 =	sld [smem:$0x0];
	_ =	sdelay $0x2  }
0xba: {  	s31 =	sshll.u32 s1, $0xD;
	s1 =	sshrl.u32 s1, $0x2  }
0xbb: {  	s3 =	sand.u32 $0x4000, s31;
	s1 =	sadd.s32 s1, s30  }
0xbc: {  	s0 =	sor.u32 s3, s0;
	s1 =	sshll.u32 s1, $0x11  }
0xbd: {  	s0 =	sor.u32 s1, s0  }
0xbe: {  	s0 =	sadd.s32 $0x8F2B, s0  }
0xbf: {  	[sflag:s0] =	ssyncadd.remote.s32 $0x1  }
0xc0: {  	_ =	sfence.sel $0xFFFF  }
0xc1: {  	[dreg:$0x0] =	wrdreg $0xFFFFFFFF;
	(pc) =	sbr.abs _section_cstart, $3  }
0xc2: {  	[dreg:$0x1] =	wrdreg $0xFFFFFFFF  }
0xc3: {  	_ =	task.clear_ibuf [dreg:s8], $0x2FFFF;
	_ =	strace $0x9FFFFFFF  }
0xc4: {  	(tm) =	ssettm $0x7FFFFFFF  }
0xc5: {  	_ =	shalt  }
tec
execute0_lowered:
.L_overlay_start_1:
0x0: {  	(tag) =	ssettag $0x1  }
0x1: {  	s1 =	rddreg [dreg:$0x0]  }
0x2: {  	s0 =	rddreg [dreg:$0x1];
	s2 =	srdreg.scid  }
0x3: {  	s8 =	stileid.u32;
	s5 =	rddreg [dreg:$0x2]  }
0x4: {  	s3 =	simm.s32 $0x0;
	s9 =	simm.s32 $0x1000;
	s10 =	simm.s32 $0x2  }
0x5: {  	s22 =	simm.s32 $0x600;
	s23 =	simm.s32 $0x680;
	s24 =	simm.s32 $0x700  }
0x6: {  	s25 =	simm.s32 $0x780;
	s28 =	simm.s32 $0x880;
	s29 =	simm.s32 $0x900  }
0x7: {  	s30 =	simm.s32 $0x980;
	s31 =	simm.s32 $0xA00;
	s11 =	simm.s32 $0xB80  }
0x8: {  	s12 =	simm.s32 $0xC00;
	s13 =	simm.s32 $0xC80;
	s14 =	simm.s32 $0xD00  }
0x9: {  	s15 =	simm.s32 $0xD80;
	s16 =	simm.s32 $0xE00;
	s17 =	simm.s32 $0xE80  }
0xa: {  	s18 =	simm.s32 $0xF00;
	s19 =	simm.s32 $0xF80;
	s20 =	simm.s32 $0x3  }
0xb: {  	s2 =	sand.u32 $0x1, s2;
	s4 =	sshll.u32 s8, $0x1;
	[smem:$0x7FF] =	sst s3  }
0xc: {  	p0 =	sgt.u32 s8, $0x9;
	s8 =	simm.s32 $0x28;
	s4 =	sor.u32 s2, s4  }
.Ltmp0:
0xd: {  	s2 =	ssub.s32 $0x2, s2;
	_ =	strace $0x80000047;
	(pc) =	sbr.rel .LBB2_1-.Ltmp0, $4  }
0xe: {  	s6 =	sshll.u32 s4, $0x9;
	s26 =	sshrl.u32 s2, $0x1;
	s7 =	smul.u32 $0x280, s4  }
0xf: {  	s0 =	sadd.s32 s6, s0;
	s2 =	ssub.s32 s2, s26;
	s26 =	simm.s32 $0x800  }
0x10: {  	s4 =	sadd.s32 $0x800, s0;
	s5 =	sadd.s32 s5, s7;
	s6 =	smax.u32 s2, $0x1  }
0x11: {  	s7 =	simm.s32 $0x1;
	s2 =	simm.s32 $0xA80;
	s0 =	simm.s32 $0xB00  }
.LBB2_3:
0x12: {  	s6 =	sadd.s32 $0xFFFFFFFF, s6  }
0x13: {  	p1 =	sne.s32 s6, $0x0  }
.Ltmp1:
0x14: {  	_ = 	snop;
	(pc) =	sbr.rel @!p1 .LBB2_4-.Ltmp1, $1  }
0x15: {  	_ =	sdelay $0x3  }
.LBB2_1:
.Ltmp2:
0x16: {  	(pc) =	sbr.rel @p0 .LBB2_3-.Ltmp2, $1  }
0x17: {  	_ =	sdelay $0x3  }
0x18: {  	[tilespmem:s3], [sflag:$0x1] =	stream.linear.gather [hbm4b:s4+s3], $0x1000, $0x38;
	[tilespmem:$0x2400] =	vst v63  }
0x19: {  	_ =	swait.ge [sflag:s7], $0x1000  }
0x1a: {  	[sflag:s7] =	ssyncset.done $0x0  }
0x1b: {  	[sflag:s7] =	ssyncadd.s32 $0xFFFFF000  }
0x1c: {  	[tilespmem:s9], [sflag:$0x2] =	stream.indirect.gather [hbm4b:s1+s8], $0x80, s3, s8, $0xb8;
	[tilespmem:$0x2400] =	vst v63  }
0x1d: {  	_ =	swait.ge [sflag:s10], $0x1400  }
0x1e: {  	[sflag:s10] =	ssyncset.done $0x0  }
0x1f: {  	s21 =	simm.s32 $0x80;
	[sflag:s10] =	ssyncadd.s32 $0xFFFFEC00  }
0x20: {  	[tilespmem:s9], [sflag:$0x2] =	stream.indirect.gather.add.f32 [hbm:s1], $0x80, s21, s8, $0xb8;
	[tilespmem:$0x2400] =	vst v63  }
0x21: {  	s21 =	simm.s32 $0x100  }
0x22: {  	[tilespmem:s9], [sflag:$0x2] =	stream.indirect.gather.add.f32 [hbm:s1], $0x80, s21, s8, $0xb8;
	[tilespmem:$0x2400] =	vst v63  }
0x23: {  	s21 =	simm.s32 $0x180  }
0x24: {  	[tilespmem:s9], [sflag:$0x2] =	stream.indirect.gather.add.f32 [hbm:s1], $0x80, s21, s8, $0xb8;
	[tilespmem:$0x2400] =	vst v63  }
0x25: {  	s21 =	simm.s32 $0x200  }
0x26: {  	[tilespmem:s9], [sflag:$0x2] =	stream.indirect.gather.add.f32 [hbm:s1], $0x80, s21, s8, $0xb8;
	[tilespmem:$0x2400] =	vst v63  }
0x27: {  	s21 =	simm.s32 $0x280  }
0x28: {  	[tilespmem:s9], [sflag:$0x2] =	stream.indirect.gather.add.f32 [hbm:s1], $0x80, s21, s8, $0xb8;
	[tilespmem:$0x2400] =	vst v63  }
0x29: {  	s21 =	simm.s32 $0x300  }
0x2a: {  	[tilespmem:s9], [sflag:$0x2] =	stream.indirect.gather.add.f32 [hbm:s1], $0x80, s21, s8, $0xb8;
	[tilespmem:$0x2400] =	vst v63  }
0x2b: {  	s21 =	simm.s32 $0x380  }
0x2c: {  	[tilespmem:s9], [sflag:$0x2] =	stream.indirect.gather.add.f32 [hbm:s1], $0x80, s21, s8, $0xb8;
	[tilespmem:$0x2400] =	vst v63  }
0x2d: {  	s21 =	simm.s32 $0x400  }
0x2e: {  	[tilespmem:s9], [sflag:$0x2] =	stream.indirect.gather.add.f32 [hbm:s1], $0x80, s21, s8, $0xb8;
	[tilespmem:$0x2400] =	vst v63  }
0x2f: {  	s21 =	simm.s32 $0x480  }
0x30: {  	[tilespmem:s9], [sflag:$0x2] =	stream.indirect.gather.add.f32 [hbm:s1], $0x80, s21, s8, $0xb8;
	[tilespmem:$0x2400] =	vst v63  }
0x31: {  	s21 =	simm.s32 $0x500  }
0x32: {  	[tilespmem:s9], [sflag:$0x2] =	stream.indirect.gather.add.f32 [hbm:s1], $0x80, s21, s8, $0xb8;
	[tilespmem:$0x2400] =	vst v63  }
0x33: {  	s21 =	simm.s32 $0x580  }
0x34: {  	[tilespmem:s9], [sflag:$0x2] =	stream.indirect.gather.add.f32 [hbm:s1], $0x80, s21, s8, $0xb8;
	[tilespmem:$0x2400] =	vst v63  }
0x35: {  	_ = 	snop  }
0x36: {  	[tilespmem:s9], [sflag:$0x2] =	stream.indirect.gather.add.f32 [hbm:s1], $0x80, s22, s8, $0xb8;
	[tilespmem:$0x2400] =	vst v63  }
0x37: {  	_ = 	snop  }
0x38: {  	[tilespmem:s9], [sflag:$0x2] =	stream.indirect.gather.add.f32 [hbm:s1], $0x80, s23, s8, $0xb8;
	[tilespmem:$0x2400] =	vst v63  }
0x39: {  	_ = 	snop  }
0x3a: {  	[tilespmem:s9], [sflag:$0x2] =	stream.indirect.gather.add.f32 [hbm:s1], $0x80, s24, s8, $0xb8;
	[tilespmem:$0x2400] =	vst v63  }
0x3b: {  	_ = 	snop  }
0x3c: {  	[tilespmem:s9], [sflag:$0x2] =	stream.indirect.gather.add.f32 [hbm:s1], $0x80, s25, s8, $0xb8;
	[tilespmem:$0x2400] =	vst v63  }
0x3d: {  	_ = 	snop  }
0x3e: {  	[tilespmem:s9], [sflag:$0x2] =	stream.indirect.gather.add.f32 [hbm:s1], $0x80, s26, s8, $0xb8;
	[tilespmem:$0x2400] =	vst v63  }
0x3f: {  	_ = 	snop  }
0x40: {  	[tilespmem:s9], [sflag:$0x2] =	stream.indirect.gather.add.f32 [hbm:s1], $0x80, s28, s8, $0xb8;
	[tilespmem:$0x2400] =	vst v63  }
0x41: {  	_ = 	snop  }
0x42: {  	[tilespmem:s9], [sflag:$0x2] =	stream.indirect.gather.add.f32 [hbm:s1], $0x80, s29, s8, $0xb8;
	[tilespmem:$0x2400] =	vst v63  }
0x43: {  	_ = 	snop  }
0x44: {  	[tilespmem:s9], [sflag:$0x2] =	stream.indirect.gather.add.f32 [hbm:s1], $0x80, s30, s8, $0xb8;
	[tilespmem:$0x2400] =	vst v63  }
0x45: {  	_ = 	snop  }
0x46: {  	[tilespmem:s9], [sflag:$0x2] =	stream.indirect.gather.add.f32 [hbm:s1], $0x80, s31, s8, $0xb8;
	[tilespmem:$0x2400] =	vst v63  }
0x47: {  	_ = 	snop  }
0x48: {  	[tilespmem:s9], [sflag:$0x2] =	stream.indirect.gather.add.f32 [hbm:s1], $0x80, s2, s8, $0xb8;
	[tilespmem:$0x2400] =	vst v63  }
0x49: {  	_ = 	snop  }
0x4a: {  	[tilespmem:s9], [sflag:$0x2] =	stream.indirect.gather.add.f32 [hbm:s1], $0x80, s0, s8, $0xb8;
	[tilespmem:$0x2400] =	vst v63  }
0x4b: {  	_ = 	snop  }
0x4c: {  	[tilespmem:s9], [sflag:$0x2] =	stream.indirect.gather.add.f32 [hbm:s1], $0x80, s11, s8, $0xb8;
	[tilespmem:$0x2400] =	vst v63  }
0x4d: {  	_ = 	snop  }
0x4e: {  	[tilespmem:s9], [sflag:$0x2] =	stream.indirect.gather.add.f32 [hbm:s1], $0x80, s12, s8, $0xb8;
	[tilespmem:$0x2400] =	vst v63  }
0x4f: {  	_ = 	snop  }
0x50: {  	[tilespmem:s9], [sflag:$0x2] =	stream.indirect.gather.add.f32 [hbm:s1], $0x80, s13, s8, $0xb8;
	[tilespmem:$0x2400] =	vst v63  }
0x51: {  	_ = 	snop  }
0x52: {  	[tilespmem:s9], [sflag:$0x2] =	stream.indirect.gather.add.f32 [hbm:s1], $0x80, s14, s8, $0xb8;
	[tilespmem:$0x2400] =	vst v63  }
0x53: {  	_ = 	snop  }
0x54: {  	[tilespmem:s9], [sflag:$0x2] =	stream.indirect.gather.add.f32 [hbm:s1], $0x80, s15, s8, $0xb8;
	[tilespmem:$0x2400] =	vst v63  }
0x55: {  	_ = 	snop  }
0x56: {  	[tilespmem:s9], [sflag:$0x2] =	stream.indirect.gather.add.f32 [hbm:s1], $0x80, s16, s8, $0xb8;
	[tilespmem:$0x2400] =	vst v63  }
0x57: {  	_ = 	snop  }
0x58: {  	[tilespmem:s9], [sflag:$0x2] =	stream.indirect.gather.add.f32 [hbm:s1], $0x80, s17, s8, $0xb8;
	[tilespmem:$0x2400] =	vst v63  }
0x59: {  	_ = 	snop  }
0x5a: {  	[tilespmem:s9], [sflag:$0x2] =	stream.indirect.gather.add.f32 [hbm:s1], $0x80, s18, s8, $0xb8;
	[tilespmem:$0x2400] =	vst v63  }
0x5b: {  	_ = 	snop  }
0x5c: {  	[tilespmem:s9], [sflag:$0x2] =	stream.indirect.gather.add.f32 [hbm:s1], $0x80, s19, s8, $0xb8;
	[tilespmem:$0x2400] =	vst v63  }
0x5d: {  	_ =	swait.ge [sflag:s10], $0x1400  }
0x5e: {  	[sflag:s10] =	ssyncset.done $0x0  }
0x5f: {  	[sflag:s10] =	ssyncadd.s32 $0xFFFFEC00  }
0x60: {  	_ =	swait.ge [sflag:s10], $0x1400  }
0x61: {  	[sflag:s10] =	ssyncset.done $0x0  }
0x62: {  	[sflag:s10] =	ssyncadd.s32 $0xFFFFEC00  }
0x63: {  	_ =	swait.ge [sflag:s10], $0x1400  }
0x64: {  	[sflag:s10] =	ssyncset.done $0x0  }
0x65: {  	[sflag:s10] =	ssyncadd.s32 $0xFFFFEC00  }
0x66: {  	_ =	swait.ge [sflag:s10], $0x1400  }
0x67: {  	[sflag:s10] =	ssyncset.done $0x0  }
0x68: {  	[sflag:s10] =	ssyncadd.s32 $0xFFFFEC00  }
0x69: {  	_ =	swait.ge [sflag:s10], $0x1400  }
0x6a: {  	[sflag:s10] =	ssyncset.done $0x0  }
0x6b: {  	[sflag:s10] =	ssyncadd.s32 $0xFFFFEC00  }
0x6c: {  	_ =	swait.ge [sflag:s10], $0x1400  }
0x6d: {  	[sflag:s10] =	ssyncset.done $0x0  }
0x6e: {  	[sflag:s10] =	ssyncadd.s32 $0xFFFFEC00  }
0x6f: {  	_ =	swait.ge [sflag:s10], $0x1400  }
0x70: {  	[sflag:s10] =	ssyncset.done $0x0  }
0x71: {  	[sflag:s10] =	ssyncadd.s32 $0xFFFFEC00  }
0x72: {  	_ =	swait.ge [sflag:s10], $0x1400  }
0x73: {  	[sflag:s10] =	ssyncset.done $0x0  }
0x74: {  	[sflag:s10] =	ssyncadd.s32 $0xFFFFEC00  }
0x75: {  	_ =	swait.ge [sflag:s10], $0x1400  }
0x76: {  	[sflag:s10] =	ssyncset.done $0x0  }
0x77: {  	[sflag:s10] =	ssyncadd.s32 $0xFFFFEC00  }
0x78: {  	_ =	swait.ge [sflag:s10], $0x1400  }
0x79: {  	[sflag:s10] =	ssyncset.done $0x0  }
0x7a: {  	[sflag:s10] =	ssyncadd.s32 $0xFFFFEC00  }
0x7b: {  	_ =	swait.ge [sflag:s10], $0x1400  }
0x7c: {  	[sflag:s10] =	ssyncset.done $0x0  }
0x7d: {  	[sflag:s10] =	ssyncadd.s32 $0xFFFFEC00  }
0x7e: {  	_ =	swait.ge [sflag:s10], $0x1400  }
0x7f: {  	[sflag:s10] =	ssyncset.done $0x0  }
0x80: {  	[sflag:s10] =	ssyncadd.s32 $0xFFFFEC00  }
0x81: {  	_ =	swait.ge [sflag:s10], $0x1400  }
0x82: {  	[sflag:s10] =	ssyncset.done $0x0  }
0x83: {  	[sflag:s10] =	ssyncadd.s32 $0xFFFFEC00  }
0x84: {  	_ =	swait.ge [sflag:s10], $0x1400  }
0x85: {  	[sflag:s10] =	ssyncset.done $0x0  }
0x86: {  	[sflag:s10] =	ssyncadd.s32 $0xFFFFEC00  }
0x87: {  	_ =	swait.ge [sflag:s10], $0x1400  }
0x88: {  	[sflag:s10] =	ssyncset.done $0x0  }
0x89: {  	[sflag:s10] =	ssyncadd.s32 $0xFFFFEC00  }
0x8a: {  	_ =	swait.ge [sflag:s10], $0x1400  }
0x8b: {  	[sflag:s10] =	ssyncset.done $0x0  }
0x8c: {  	[sflag:s10] =	ssyncadd.s32 $0xFFFFEC00  }
0x8d: {  	_ =	swait.ge [sflag:s10], $0x1400  }
0x8e: {  	[sflag:s10] =	ssyncset.done $0x0  }
0x8f: {  	[sflag:s10] =	ssyncadd.s32 $0xFFFFEC00  }
0x90: {  	_ =	swait.ge [sflag:s10], $0x1400  }
0x91: {  	[sflag:s10] =	ssyncset.done $0x0  }
0x92: {  	[sflag:s10] =	ssyncadd.s32 $0xFFFFEC00  }
0x93: {  	_ =	swait.ge [sflag:s10], $0x1400  }
0x94: {  	[sflag:s10] =	ssyncset.done $0x0  }
0x95: {  	[sflag:s10] =	ssyncadd.s32 $0xFFFFEC00  }
0x96: {  	_ =	swait.ge [sflag:s10], $0x1400  }
0x97: {  	[sflag:s10] =	ssyncset.done $0x0  }
0x98: {  	[sflag:s10] =	ssyncadd.s32 $0xFFFFEC00  }
0x99: {  	_ =	swait.ge [sflag:s10], $0x1400  }
0x9a: {  	[sflag:s10] =	ssyncset.done $0x0  }
0x9b: {  	[sflag:s10] =	ssyncadd.s32 $0xFFFFEC00  }
0x9c: {  	_ =	swait.ge [sflag:s10], $0x1400  }
0x9d: {  	[sflag:s10] =	ssyncset.done $0x0  }
0x9e: {  	[sflag:s10] =	ssyncadd.s32 $0xFFFFEC00  }
0x9f: {  	_ =	swait.ge [sflag:s10], $0x1400  }
0xa0: {  	[sflag:s10] =	ssyncset.done $0x0  }
0xa1: {  	[sflag:s10] =	ssyncadd.s32 $0xFFFFEC00  }
0xa2: {  	_ =	swait.ge [sflag:s10], $0x1400  }
0xa3: {  	[sflag:s10] =	ssyncset.done $0x0  }
0xa4: {  	[sflag:s10] =	ssyncadd.s32 $0xFFFFEC00  }
0xa5: {  	_ =	swait.ge [sflag:s10], $0x1400  }
0xa6: {  	[sflag:s10] =	ssyncset.done $0x0  }
0xa7: {  	[sflag:s10] =	ssyncadd.s32 $0xFFFFEC00  }
0xa8: {  	_ =	swait.ge [sflag:s10], $0x1400  }
0xa9: {  	[sflag:s10] =	ssyncset.done $0x0  }
0xaa: {  	[sflag:s10] =	ssyncadd.s32 $0xFFFFEC00  }
0xab: {  	_ =	swait.ge [sflag:s10], $0x1400  }
0xac: {  	[sflag:s10] =	ssyncset.done $0x0  }
0xad: {  	[sflag:s10] =	ssyncadd.s32 $0xFFFFEC00  }
0xae: {  	_ =	swait.ge [sflag:s10], $0x1400  }
0xaf: {  	[sflag:s10] =	ssyncset.done $0x0  }
0xb0: {  	[sflag:s10] =	ssyncadd.s32 $0xFFFFEC00  }
0xb1: {  	_ =	swait.ge [sflag:s10], $0x1400  }
0xb2: {  	[sflag:s10] =	ssyncset.done $0x0  }
0xb3: {  	[sflag:s10] =	ssyncadd.s32 $0xFFFFEC00  }
0xb4: {  	_ =	swait.ge [sflag:s10], $0x1400  }
0xb5: {  	[sflag:s10] =	ssyncset.done $0x0  }
0xb6: {  	[sflag:s10] =	ssyncadd.s32 $0xFFFFEC00  }
0xb7: {  	_ =	swait.ge [sflag:s10], $0x1400  }
0xb8: {  	[sflag:s10] =	ssyncset.done $0x0  }
.Ltmp3:
0xb9: {  	[sflag:s10] =	ssyncadd.s32 $0xFFFFEC00;
	(pc) =	sbr.rel .LBB2_3-.Ltmp3, $4  }
0xba: {  	[hbm4b:s5+s3] =	stream.linear.scatter [tilespmem:s9], [sflag:$0x3], $0x1400, $0x38;
	[tilespmem:$0x2400] =	vst v63  }
0xbb: {  	_ =	swait.ge [sflag:s20], $0x1400  }
0xbc: {  	[sflag:s20] =	ssyncset.done $0x0  }
0xbd: {  	[sflag:s20] =	ssyncadd.s32 $0xFFFFEC00  }
.LBB2_4:
0xbe: {  	_ =	sfence.sel $0x180000  }
0xbf: {  	[bflag:$0x0] =	sbarrier.arrive $0xFFFF  }
0xc0: {  	_ =	strace $0x90000047  }
0xc1: {  	s0 =	stileid.u32;
	[bflag:$0x2] =	sbarrier.arrive $0xFFFF  }
0xc2: {  	p0 =	sne.s32 s0, $0x0;
	s0 =	rddreg [dreg:$0x3]  }
0xc3: {  	s0 =	sadd.s32 @!p0 $0x100000, s0  }
0xc4: {  	[sflag:s0] =	ssyncadd.tile.s32 @!p0 $0x1;
	_ =	shalt  }
.Lfunc_end2:
_tile_overlayer_lowered:
.L_overlay_start_2:
0xc5: {  	(tag) =	ssettag $0x2  }
0xc6: {  	s0 =	rddreg [dreg:$0x0];
	s2 =	stileid.u32  }
0xc7: {  	s1 =	rddreg [dreg:$0x1];
	p0 =	sne.s32 s2, $0x0  }
0xc8: {  	s3 =	rddreg [dreg:$0x2];
	[bflag:$0x3] =	sbarrier.arrive $0xFFFF;
	s2 =	simm.s32 @!p0 $0x1C03  }
0xc9: {  	[timem:s3], [sflag:s2] =	dma.local @!p0 [hbm:s0], s1  }
0xca: {  	s0 =	simm.s32 @!p0 $0x3  }
0xcb: {  	_ =	swait.ge @!p0 [sflag:s0], s1  }
0xcc: {  	s1 =	ssub.s32 @!p0 $0x0, s1;
	[sflag:s0] =	ssyncset.done @!p0 $0x0  }
0xcd: {  	[sflag:s0] =	ssyncadd.s32 @!p0 s1  }
0xce: {  	[bflag:$0x3] =	sbarrier.arrive $0xFFFF  }
0xcf: {  	_ =	shalt  }

</sc_bundles>
